<compile_context>
chip_gen: v7x
topology: tpu7x:2x2x1
jax: 0.10.2.dev20260603
libtpu: 0.0.44.dev20260713+nightly
codegen_flags: <defaults>
</compile_context>

<pallas_src>
import functools

import jax
import jax.numpy as jnp
from jax import lax
from jax.experimental import pallas as pl
from jax.experimental.pallas import tpu as pltpu
from jax.experimental.pallas import tpu_sc as plsc

DIM = 256
LANES = 16
NUM_CORES = 2
NUM_SUBCORES = 16
NUM_WORKERS = NUM_CORES * NUM_SUBCORES


@functools.partial(jax.jit, static_argnames=("batch", "seq"))
def _embed(x_flat, token_table, pos_table, batch, seq):
    rows_w = seq // NUM_WORKERS
    mesh = plsc.VectorSubcoreMesh(
        core_axis_name="c", subcore_axis_name="s",
        num_cores=NUM_CORES, num_subcores=NUM_SUBCORES,
    )

    @functools.partial(
        pl.kernel,
        out_type=jax.ShapeDtypeStruct((batch * seq, DIM), jnp.float32),
        mesh=mesh,
        scratch_types=[
            pltpu.VMEM((rows_w,), jnp.int32),
            pltpu.VMEM((rows_w, DIM), jnp.float32),
            pltpu.VMEM((rows_w, DIM), jnp.float32),
            pltpu.SemaphoreType.DMA,
        ],
    )
    def k(x_hbm, tok_hbm, pos_hbm, out_hbm, idx_v, rows_v, pos_v, sem):
        wid = lax.axis_index("s") * NUM_CORES + lax.axis_index("c")
        seq0 = wid * rows_w
        pltpu.sync_copy(pos_hbm.at[pl.ds(seq0, rows_w)], pos_v)

        @pl.loop(0, batch)
        def _batch(b):
            base = b * seq + seq0
            pltpu.sync_copy(x_hbm.at[pl.ds(base, rows_w)], idx_v)
            pltpu.async_copy(tok_hbm.at[idx_v], rows_v, sem).wait()

            @pl.loop(0, rows_w)
            def _row(r):
                @pl.loop(0, DIM, step=LANES)
                def _col(c):
                    sl = (r, pl.ds(c, LANES))
                    rows_v.at[sl][...] = rows_v.at[sl][...] + pos_v.at[sl][...]

            pltpu.sync_copy(rows_v, out_hbm.at[pl.ds(base, rows_w)])

    return k(x_flat, token_table, pos_table)


def kernel(x, token_table, pos_table):
    batch, seq = x.shape
    x_flat = x.reshape(batch * seq).astype(jnp.int32)
    out = _embed(x_flat, token_table, pos_table, batch, seq)
    return out.reshape(batch, seq, DIM)

# --- scband reference (transcript-rebuilt; emitter-appended) ---
"""Pipeline reference for scband-positional-embedding-73177652789361 (READ-ONLY COPY).

The authoritative reference and input builder live on the scoring server;
editing this copy changes nothing except your own understanding.
"""

import jax, jax.numpy as jnp
import numpy as np

VOCAB_SIZE = 80000
DIM_MODEL = 256
MAX_LEN = 2048
BATCH = 32
SEQ_LEN = 2048

def setup_inputs(seed: int = 0) -> dict:
    key = jax.random.key(seed)
    k1, k2, k3 = jax.random.split(key, 3)
    x = jax.random.randint(k1, (BATCH, SEQ_LEN), 0, VOCAB_SIZE, dtype=jnp.int64 if jax.config.read('jax_enable_x64') else jnp.int32)
    # Keras Embedding default init: uniform(-0.05, 0.05)
    token_table = jax.random.uniform(k2, (VOCAB_SIZE, DIM_MODEL), dtype=jnp.float32, minval=-0.05, maxval=0.05)
    pos_table = jax.random.uniform(k3, (MAX_LEN, DIM_MODEL), dtype=jnp.float32, minval=-0.05, maxval=0.05)
    return {"x": x, "token_table": token_table, "pos_table": pos_table}

def reference(x, token_table, pos_table):
    seq_len = x.shape[-1]
    positions = jnp.arange(seq_len)
    pos_emb = jnp.take(pos_table, positions, axis=0)  # [S, D]
    tok_emb = jnp.take(token_table, x, axis=0)        # [B, S, D]
    return tok_emb + pos_emb[None, :, :]

if __name__ == "__main__":
    import jax
    _d = setup_inputs()
    print(jax.jit(kernel)(*tuple(_d.values())))

</pallas_src>

<mosaic_0001>
#map = affine_map<(d0, d1) -> (0)>
#map1 = affine_map<(d0, d1) -> (0, 0)>
module attributes {stable_mosaic.version = 14 : i64} {
  func.func @k(%arg0: i32, %arg1: i32, %arg2: memref<65536xi32, #tpu.memory_space<hbm>>, %arg3: memref<80000x256xf32, #tpu.memory_space<hbm>>, %arg4: memref<2048x256xf32, #tpu.memory_space<hbm>>, %arg5: memref<65536x256xf32, #tpu.memory_space<hbm>>, %arg6: memref<64xi32, #tpu.memory_space<vmem>>, %arg7: memref<64x256xf32, #tpu.memory_space<vmem>>, %arg8: memref<64x256xf32, #tpu.memory_space<vmem>>, %arg9: memref<!tpu.dma_semaphore, #tpu.memory_space<semaphore_mem>>) attributes {dimension_semantics = [#tpu.dimension_semantics<core_parallel>, #tpu.dimension_semantics<subcore_parallel>], iteration_bounds = array<i64: 2, 16>, scalar_prefetch = 0 : i64, scratch_operands = 4 : i64, tpu.core_type = #tpu.core_type<sc_vector_subcore>, window_params = [{transform_indices = #map}, {transform_indices = #map1}, {transform_indices = #map1}, {transform_indices = #map1}]} {
    %mul3A = arith.constant 2 : i32
    %mul3A_0 = arith.muli %arg1, %mul3A : i32
    %add3A = arith.addi %mul3A_0, %arg0 : i32
    %mul3A_1 = arith.constant 64 : i32
    %mul3A_2 = arith.muli %add3A, %mul3A_1 : i32
    "tpu.region"() ({
      %run_scoped3A = tpu.sem_alloc : memref<!tpu.dma_semaphore, #tpu.memory_space<semaphore_mem>>
      %dma_start3A = arith.constant 0 : i32
      %dma_start3A_7 = tpu.memref_slice %arg4[%mul3A_2, %dma_start3A] : memref<2048x256xf32, #tpu.memory_space<hbm>> -> memref<64x256xf32, #tpu.memory_space<hbm>>
      %dma_start3A_8 = arith.constant 0 : i32
      %dma_start3A_9 = tpu.memref_slice %arg4[%mul3A_2, %dma_start3A_8] : memref<2048x256xf32, #tpu.memory_space<hbm>> -> memref<64x256xf32, #tpu.memory_space<hbm>>
      tpu.enqueue_dma source(%dma_start3A_9 : memref<64x256xf32, #tpu.memory_space<hbm>>) target(%arg8 : memref<64x256xf32, #tpu.memory_space<vmem>>) target_semaphore(%run_scoped3A : memref<!tpu.dma_semaphore, #tpu.memory_space<semaphore_mem>>)
      %dma_wait3A = arith.constant 0 : i32
      %dma_wait3A_10 = tpu.memref_slice %arg4[%mul3A_2, %dma_wait3A] : memref<2048x256xf32, #tpu.memory_space<hbm>> -> memref<64x256xf32, #tpu.memory_space<hbm>>
      %dma_wait3A_11 = arith.constant 0 : i32
      %dma_wait3A_12 = tpu.memref_slice %arg4[%mul3A_2, %dma_wait3A_11] : memref<2048x256xf32, #tpu.memory_space<hbm>> -> memref<64x256xf32, #tpu.memory_space<hbm>>
      tpu.wait_dma2 semaphore(%run_scoped3A : memref<!tpu.dma_semaphore, #tpu.memory_space<semaphore_mem>>) src(%dma_wait3A_12 : memref<64x256xf32, #tpu.memory_space<hbm>>) dst(%arg8 : memref<64x256xf32, #tpu.memory_space<vmem>>)
      tpu.yield
    }) : () -> ()
    %scan3A = arith.constant 0 : i32
    %scan3A_3 = arith.constant 32 : i32
    %scan3A_4 = arith.addi %scan3A, %scan3A_3 : i32
    %scan3A_5 = arith.constant 1 : i32
    scf.for %scan3A_7 = %scan3A to %scan3A_4 step %scan3A_5  : i32 {
      %mul3A_8 = arith.constant 1 : i32
      %mul3A_9 = arith.muli %scan3A_7, %mul3A_8 : i32
      %add3A_10 = arith.constant 0 : i32
      %add3A_11 = arith.addi %add3A_10, %mul3A_9 : i32
      %mul3A_12 = arith.constant 2048 : i32
      %mul3A_13 = arith.muli %add3A_11, %mul3A_12 : i32
      %add3A_14 = arith.addi %mul3A_13, %mul3A_2 : i32
      "tpu.region"() ({
        %run_scoped3A = tpu.sem_alloc : memref<!tpu.dma_semaphore, #tpu.memory_space<semaphore_mem>>
        %dma_start3A_24 = tpu.memref_slice %arg2[%add3A_14] : memref<65536xi32, #tpu.memory_space<hbm>> -> memref<64xi32, #tpu.memory_space<hbm>>
        %dma_start3A_25 = tpu.memref_slice %arg2[%add3A_14] : memref<65536xi32, #tpu.memory_space<hbm>> -> memref<64xi32, #tpu.memory_space<hbm>>
        tpu.enqueue_dma source(%dma_start3A_25 : memref<64xi32, #tpu.memory_space<hbm>>) target(%arg6 : memref<64xi32, #tpu.memory_space<vmem>>) target_semaphore(%run_scoped3A : memref<!tpu.dma_semaphore, #tpu.memory_space<semaphore_mem>>)
        %dma_wait3A_26 = tpu.memref_slice %arg2[%add3A_14] : memref<65536xi32, #tpu.memory_space<hbm>> -> memref<64xi32, #tpu.memory_space<hbm>>
        %dma_wait3A_27 = tpu.memref_slice %arg2[%add3A_14] : memref<65536xi32, #tpu.memory_space<hbm>> -> memref<64xi32, #tpu.memory_space<hbm>>
        tpu.wait_dma2 semaphore(%run_scoped3A : memref<!tpu.dma_semaphore, #tpu.memory_space<semaphore_mem>>) src(%dma_wait3A_27 : memref<64xi32, #tpu.memory_space<hbm>>) dst(%arg6 : memref<64xi32, #tpu.memory_space<vmem>>)
        tpu.yield
      }) : () -> ()
      %dma_start3A = arith.constant 0 : i32
      %dma_start3A_15 = arith.constant 0 : i32
      %dma_start3A_16 = tpu.memref_slice %arg3[%dma_start3A, %dma_start3A_15] : memref<80000x256xf32, #tpu.memory_space<hbm>> -> memref<80000x256xf32, #tpu.memory_space<hbm>>
      tpu.enqueue_indirect_dma source(%dma_start3A_16 : memref<80000x256xf32, #tpu.memory_space<hbm>>) target(%arg7 : memref<64x256xf32, #tpu.memory_space<vmem>>) offsets(%arg6 : memref<64xi32, #tpu.memory_space<vmem>>) semaphore(%arg9 : memref<!tpu.dma_semaphore, #tpu.memory_space<semaphore_mem>>)
      %dma_wait3A = arith.constant 0 : i32
      %dma_wait3A_17 = arith.constant 0 : i32
      %dma_wait3A_18 = tpu.memref_slice %arg3[%dma_wait3A, %dma_wait3A_17] : memref<80000x256xf32, #tpu.memory_space<hbm>> -> memref<80000x256xf32, #tpu.memory_space<hbm>>
      tpu.wait_indirect_dma semaphore(%arg9 : memref<!tpu.dma_semaphore, #tpu.memory_space<semaphore_mem>>) src(%dma_wait3A_18 : memref<80000x256xf32, #tpu.memory_space<hbm>>) dst(%arg7 : memref<64x256xf32, #tpu.memory_space<vmem>>)
      %scan3A_19 = arith.constant 0 : i32
      %scan3A_20 = arith.constant 64 : i32
      %scan3A_21 = arith.addi %scan3A_19, %scan3A_20 : i32
      %scan3A_22 = arith.constant 1 : i32
      scf.for %scan3A_24 = %scan3A_19 to %scan3A_21 step %scan3A_22  : i32 {
        %mul3A_25 = arith.constant 1 : i32
        %mul3A_26 = arith.muli %scan3A_24, %mul3A_25 : i32
        %add3A_27 = arith.constant 0 : i32
        %add3A_28 = arith.addi %add3A_27, %mul3A_26 : i32
        %scan3A_29 = arith.constant 0 : i32
        %scan3A_30 = arith.constant 16 : i32
        %scan3A_31 = arith.addi %scan3A_29, %scan3A_30 : i32
        %scan3A_32 = arith.constant 1 : i32
        scf.for %scan3A_34 = %scan3A_29 to %scan3A_31 step %scan3A_32  : i32 {
          %mul3A_35 = arith.constant 16 : i32
          %mul3A_36 = arith.muli %scan3A_34, %mul3A_35 : i32
          %add3A_37 = arith.constant 0 : i32
          %add3A_38 = arith.addi %add3A_37, %mul3A_36 : i32
          %get3A = arith.index_cast %add3A_28 : i32 to index
          %get3A_39 = arith.index_cast %add3A_38 : i32 to index
          %get3A_40 = tpu.vector_load %arg7[%get3A, %get3A_39] {strides = array<i32>} : memref<64x256xf32, #tpu.memory_space<vmem>>, vector<1x16xf32>,
          %get3A_41 = vector.shape_cast %get3A_40 : vector<1x16xf32> to vector<16xf32>
          %get3A_42 = arith.index_cast %add3A_28 : i32 to index
          %get3A_43 = arith.index_cast %add3A_38 : i32 to index
          %get3A_44 = tpu.vector_load %arg8[%get3A_42, %get3A_43] {strides = array<i32>} : memref<64x256xf32, #tpu.memory_space<vmem>>, vector<1x16xf32>,
          %get3A_45 = vector.shape_cast %get3A_44 : vector<1x16xf32> to vector<16xf32>
          %add3A_46 = arith.addf %get3A_41, %get3A_45 : vector<16xf32>
          %swap3A = arith.index_cast %add3A_28 : i32 to index
          %swap3A_47 = arith.index_cast %add3A_38 : i32 to index
          %swap3A_48 = tpu.vector_load %arg7[%swap3A, %swap3A_47] {strides = array<i32>} : memref<64x256xf32, #tpu.memory_space<vmem>>, vector<1x16xf32>,
          %swap3A_49 = vector.shape_cast %swap3A_48 : vector<1x16xf32> to vector<16xf32>
          %swap3A_50 = vector.shape_cast %add3A_46 : vector<16xf32> to vector<1x16xf32>
          tpu.vector_store %arg7[%swap3A, %swap3A_47], %swap3A_50 {strides = array<i32>} : memref<64x256xf32, #tpu.memory_space<vmem>>, vector<1x16xf32>,
        }
        %scan3A_33 = arith.constant 16 : i32
      }
      %scan3A_23 = arith.constant 64 : i32
      "tpu.region"() ({
        %run_scoped3A = tpu.sem_alloc : memref<!tpu.dma_semaphore, #tpu.memory_space<semaphore_mem>>
        %dma_start3A_24 = arith.constant 0 : i32
        %dma_start3A_25 = tpu.memref_slice %arg5[%add3A_14, %dma_start3A_24] : memref<65536x256xf32, #tpu.memory_space<hbm>> -> memref<64x256xf32, #tpu.memory_space<hbm>>
        %dma_start3A_26 = arith.constant 0 : i32
        %dma_start3A_27 = tpu.memref_slice %arg5[%add3A_14, %dma_start3A_26] : memref<65536x256xf32, #tpu.memory_space<hbm>> -> memref<64x256xf32, #tpu.memory_space<hbm>>
        tpu.enqueue_dma source(%arg7 : memref<64x256xf32, #tpu.memory_space<vmem>>) target(%dma_start3A_27 : memref<64x256xf32, #tpu.memory_space<hbm>>) target_semaphore(%run_scoped3A : memref<!tpu.dma_semaphore, #tpu.memory_space<semaphore_mem>>)
        %dma_wait3A_28 = arith.constant 0 : i32
        %dma_wait3A_29 = tpu.memref_slice %arg5[%add3A_14, %dma_wait3A_28] : memref<65536x256xf32, #tpu.memory_space<hbm>> -> memref<64x256xf32, #tpu.memory_space<hbm>>
        %dma_wait3A_30 = arith.constant 0 : i32
        %dma_wait3A_31 = tpu.memref_slice %arg5[%add3A_14, %dma_wait3A_30] : memref<65536x256xf32, #tpu.memory_space<hbm>> -> memref<64x256xf32, #tpu.memory_space<hbm>>
        tpu.wait_dma2 semaphore(%run_scoped3A : memref<!tpu.dma_semaphore, #tpu.memory_space<semaphore_mem>>) src(%arg7 : memref<64x256xf32, #tpu.memory_space<vmem>>) dst(%dma_wait3A_31 : memref<64x256xf32, #tpu.memory_space<hbm>>)
        tpu.yield
      }) : () -> ()
    }
    %scan3A_6 = arith.constant 32 : i32
    return
  }
}

</mosaic_0001>

<sc_bundles>
// kernel: _embed.3.cloned.1.call-start
scs
__scs_entry_jumppad:
0x0: {  	(pc) =	sbr.rel $0x88, $3  }
0x1: {  	(tag) =	ssettag $0x0;
	lr =	simm.s32 $0x1  }
0x2: {  	[smem:$0x3F9E] =	sst lr;
	_ =	strace $0xD0000000  }
0x3: {  	_ = 	snop  }
0x4: {  	_ = 	snop  }
0x5: {  	_ = 	snop  }
0x6: {  	_ = 	snop  }
0x7: {  	_ = 	snop  }
__scs_overlays_trampoline_lowered:
0x8: {  	[smem:$0x3FAD] =	sst s0  }
0x9: {  	[smem:$0x3FAE] =	sst s1  }
0xa: {  	[smem:$0x3FAF] =	sst s2  }
0xb: {  	[smem:$0x3FB0] =	sst s3  }
0xc: {  	[smem:$0x3FB1] =	sst s4  }
0xd: {  	[smem:$0x3FB2] =	sst s5  }
0xe: {  	[smem:$0x3FB3] =	sst s6  }
0xf: {  	[smem:$0x3FB4] =	sst s7  }
0x10: {  	[smem:$0x3FB5] =	sst s8  }
0x11: {  	[smem:$0x3FB6] =	sst s9;
	s0 =	simm.s32 @!p0 $0x0  }
0x12: {  	s1 =	sld [smem:$0x3F9C];
	s0 =	simm.s32 @p0 $0x1  }
0x13: {  	[smem:$0x3FB7] =	sst s0;
	s0 =	simm.s32 @!p1 $0x0  }
0x14: {  	s2 =	sld [smem:$0x3F9B];
	s0 =	simm.s32 @p1 $0x1  }
0x15: {  	[smem:$0x3FB8] =	sst s0;
	s0 =	simm.s32 @!p2 $0x0  }
0x16: {  	s3 =	sld [smem:$0x3FDB];
	s0 =	simm.s32 @p2 $0x1  }
0x17: {  	s4 =	simm.s32 $0x1BF5;
	[smem:$0x3FBA] =	sst s0  }
0x18: {  	s0 =	sld [smem:$0x3F9D];
	_ =	swait.ge [sflag:s4], $0x0  }
0x19: {  	s7 =	sld [smem:$0x3F9E]  }
0x1a: {  	s8 =	sadd.s32 $0xFFFFE003, lr  }
0x1b: {  	s9 =	sadd.s32 $0xFFFFFEF7, lr;
	s5 =	simm.s32 $0xFFFFFFFF;
	p2 =	slt.u32 s8, $0xFFFFF086  }
0x1c: {  	p1 =	slt.u32 s9, $0xF7A;
	s5 =	simm.s32 @!p2 $0x0  }
0x1d: {  	s5 =	simm.s32 @p1 $0x1;
	p0 =	seq.s32 s7, s2  }
0x1e: {  	s7 =	smul.u32 @!p0 $0xF7A, s2;
	p2 =	seq.s32 @!p0 s5, $0x0  }
0x1f: {  	s9 =	smul.u32 $0xF7A, s1;
	s8 =	simm.s32 @!p0 $0x1BF5;
	p2 =	por !p2, p0  }
0x20: {  	[sflag:s8] =	ssyncset.s32 @!p0 $0xFFFFF086;
	s6 =	sadd.s32 @!p0 s3, s7;
	s7 =	simm.s32 @!p0 $0x108  }
0x21: {  	s3 =	sadd.s32 s3, s9;
	s6 =	sadd.s32 @!p0 $0x88, s6;
	s7 =	simm.s32 @p2 $0x1082  }
0x22: {  	[simem:s7], [sflag:s8] =	dma.local @!p0 [hbm:s6], $0xF7A  }
0x23: {  	s9 =	sor.u32 $0xD0000000, s2;
	s6 =	simm.s32 $0x108;
	_ =	swait.ge @!p0 [sflag:s8], $0x0  }
0x24: {  	s3 =	sadd.s32 $0x88, s3;
	s6 =	simm.s32 @!p1 $0x1082;
	[sflag:s4] =	ssyncset.s32 $0xFFFFF086  }
0x25: {  	[simem:s6], [sflag:s4] =	dma.local [hbm:s3], $0xF7A  }
0x26: {  	[smem:$0x3F9E] =	sst s1;
	(tag) =	ssettag s2;
	_ =	strace s9  }
0x27: {  	s1 =	sld [smem:$0x3FAE]  }
0x28: {  	s2 =	sld [smem:$0x3FAF]  }
0x29: {  	s4 =	sld [smem:$0x3FB1]  }
0x2a: {  	p0 =	seq.s32 s5, $0x0;
	s5 =	sld [smem:$0x3FB2]  }
0x2b: {  	s6 =	sld [smem:$0x3FB3]  }
0x2c: {  	s7 =	sld [smem:$0x3FB4]  }
0x2d: {  	s3 =	simm.s32 $0x108;
	s8 =	sld [smem:$0x3FB5]  }
0x2e: {  	s3 =	simm.s32 @!p0 $0x1082;
	s9 =	sld [smem:$0x3FB6]  }
0x2f: {  	lr =	sadd.s32 s0, s3;
	s0 =	sld [smem:$0x3FAD]  }
0x30: {  	s3 =	sld [smem:$0x3FB0]  }
0x31: {  	[smem:$0x3FB9] =	sst s10  }
0x32: {  	s10 =	sld [smem:$0x3FB7];
	_ =	sdelay $0x3  }
0x33: {  	p0 =	seq.s32 s10, $0x1;
	s10 =	sld [smem:$0x3FB9];
	_ =	sdelay $0x3  }
0x34: {  	[smem:$0x3FB9] =	sst s10  }
0x35: {  	s10 =	sld [smem:$0x3FB8];
	_ =	sdelay $0x3  }
0x36: {  	p1 =	seq.s32 s10, $0x1;
	s10 =	sld [smem:$0x3FB9];
	_ =	sdelay $0x3  }
0x37: {  	[smem:$0x3FB9] =	sst s10  }
0x38: {  	s10 =	sld [smem:$0x3FBA]  }
0x39: {  	_ = 	snop;
	(pc) =	sbr.ind lr, $3  }
0x3a: {  	_ = 	snop  }
0x3b: {  	_ = 	snop  }
0x3c: {  	p2 =	seq.s32 s10, $0x1;
	s10 =	sld [smem:$0x3FB9]  }
0x3d: {  	_ =	shalt  }
0x3e: {  	_ =	shalt  }
0x3f: {  	_ =	shalt  }
0x40: {  	_ =	shalt  }
0x41: {  	_ =	shalt  }
0x42: {  	_ =	shalt  }
0x43: {  	_ =	shalt  }
0x44: {  	_ =	shalt  }
0x45: {  	_ =	shalt  }
0x46: {  	_ =	shalt  }
0x47: {  	_ =	shalt  }
0x48: {  	_ =	shalt  }
0x49: {  	_ =	shalt  }
0x4a: {  	_ =	shalt  }
0x4b: {  	_ =	shalt  }
0x4c: {  	_ =	shalt  }
0x4d: {  	_ =	shalt  }
0x4e: {  	_ =	shalt  }
0x4f: {  	_ =	shalt  }
0x50: {  	_ =	shalt  }
0x51: {  	_ =	shalt  }
0x52: {  	_ =	shalt  }
0x53: {  	_ =	shalt  }
0x54: {  	_ =	shalt  }
0x55: {  	_ =	shalt  }
0x56: {  	_ =	shalt  }
0x57: {  	_ =	shalt  }
0x58: {  	_ =	shalt  }
0x59: {  	_ =	shalt  }
0x5a: {  	_ =	shalt  }
0x5b: {  	_ =	shalt  }
0x5c: {  	_ =	shalt  }
0x5d: {  	_ =	shalt  }
0x5e: {  	_ =	shalt  }
0x5f: {  	_ =	shalt  }
0x60: {  	_ =	shalt  }
0x61: {  	_ =	shalt  }
0x62: {  	_ =	shalt  }
0x63: {  	_ =	shalt  }
0x64: {  	_ =	shalt  }
0x65: {  	_ =	shalt  }
0x66: {  	_ =	shalt  }
0x67: {  	_ =	shalt  }
0x68: {  	_ =	shalt  }
0x69: {  	_ =	shalt  }
0x6a: {  	_ =	shalt  }
0x6b: {  	_ =	shalt  }
0x6c: {  	_ =	shalt  }
0x6d: {  	_ =	shalt  }
0x6e: {  	_ =	shalt  }
0x6f: {  	_ =	shalt  }
0x70: {  	_ =	shalt  }
0x71: {  	_ =	shalt  }
0x72: {  	_ =	shalt  }
0x73: {  	_ =	shalt  }
0x74: {  	_ =	shalt  }
0x75: {  	_ =	shalt  }
0x76: {  	_ =	shalt  }
0x77: {  	_ =	shalt  }
0x78: {  	_ =	shalt  }
0x79: {  	_ =	shalt  }
0x7a: {  	_ =	shalt  }
0x7b: {  	_ =	shalt  }
0x7c: {  	_ =	shalt  }
0x7d: {  	_ =	shalt  }
0x7e: {  	_ =	shalt  }
0x7f: {  	_ =	shalt  }
0x80: {  	_ =	shalt  }
0x81: {  	_ =	shalt  }
0x82: {  	_ =	shalt  }
0x83: {  	_ =	shalt  }
0x84: {  	_ =	shalt  }
0x85: {  	_ =	shalt  }
0x86: {  	_ =	shalt  }
0x87: {  	_ =	shalt  }
.Lfunc_end0:
.L_simem_size_0:
called_computation_lowered:
.L_overlay_start_0:
0x88: {  	s2 =	sld [smem:$0x3FD9]  }
0x89: {  	s3 =	sld [smem:$0x3FFE];
	_ =	sdelay $0x1  }
0x8a: {  	s1 =	srdreg.scid  }
0x8b: {  	s0 =	sand.u32 $0x1, s1  }
0x8c: {  	s18 =	sshll.u32 s0, $0xA;
	s2 =	sadd.s32 s3, s2  }
0x8d: {  	s2 =	sadd.s32 s2, s18  }
0x8e: {  	[smem:$0x3FC5] =	sst s2  }
0x8f: {  	_ = 	snop  }
0x90: {  	s2 =	sld [smem:$0x3FC9]  }
0x91: {  	s19 =	sld [smem:$0x3FC8]  }
0x92: {  	s4 =	sld [smem:$0x3FC7]  }
0x93: {  	s5 =	sld [smem:$0x3FD0];
	(tm) =	ssettm $0x1  }
0x94: {  	s6 =	sld [smem:$0x3FFB];
	_ =	sdelay $0x3  }
0x95: {  	_ =	strace s6  }
0x96: {  	s6 =	sld [smem:$0x3FFC];
	_ =	sdelay $0x3  }
0x97: {  	_ =	strace s6  }
0x98: {  	s6 =	sld [smem:$0x3FFD];
	_ =	sdelay $0x3  }
0x99: {  	_ =	strace s6  }
0x9a: {  	_ =	strace $0x8FFFFFFF  }
0x9b: {  	s20 =	sld [smem:$0x3FDB];
	_ =	sdelay $0x1  }
0x9c: {  	s7 =	simm.s32 $_scs_section_size  }
0x9d: {  	s8 =	simm.s32 $_size__tile_overlayer_lowered;
	s9 =	simm.s32 $_tile_overlayer_lowered  }
0x9e: {  	s23 =	simm.s32 $0x1BFF;
	s22 =	sshll.u32 s9, $0x1;
	s6 =	sadd.s32 s7, s20  }
0x9f: {  	s10 =	simm.s32 $0x0;
	s21 =	sshll.u32 s8, $0x1;
	s8 =	sadd.s32 s22, s6  }
0xa0: {  	[timem:s10], [sflag:s23] =	dma.local [hbm:s8], s21  }
0xa1: {  	_ =	swait.ge [sflag:s23], s21  }
0xa2: {  	s7 =	ssub.s32 $0x0, s21;
	[sflag:s23] =	ssyncset.done $0x0  }
0xa3: {  	[sflag:s23] =	ssyncadd.s32 s7;
	_ =	sdelay $0x1  }
0xa4: {  	s24 =	simm.s32 $0x1B8B  }
0xa5: {  	_ =	swait.ge [sflag:s24], $0x1  }
0xa6: {  	[sflag:s24] =	ssyncset.done $0x0  }
0xa7: {  	s25 =	simm.s32 $0x1B8E;
	[sflag:s24] =	ssyncadd.s32 $0xFFFFFFFF  }
0xa8: {  	s26 =	simm.s32 $execute0_lowered;
	[smem:$0x3FD2] =	sst s25  }
0xa9: {  	s7 =	sshll.u32 s26, $0x1;
	_ =	strace $0x80000046;
	[dreg:$0x1] =	wrdreg $0xFFFFFFFF  }
0xaa: {  	s28 =	simm.s32 $_size_execute0_lowered;
	s6 =	sadd.s32 s6, s7;
	[dreg:$0x0] =	wrdreg $0x0  }
0xab: {  	s7 =	sshll.u32 s28, $0x1;
	[dreg:$0x2] =	wrdreg s6  }
0xac: {  	[dreg:$0x3] =	wrdreg s7  }
0xad: {  	[dreg:$0x4] =	wrdreg $0xC0  }
0xae: {  	_ =	task [dreg:s10], $0x5FFFF  }
0xaf: {  	[dreg:$0x1] =	wrdreg $0xFFFFFFFF  }
0xb0: {  	[dreg:$0x0] =	wrdreg $0x60  }
0xb1: {  	[dreg:$0x2] =	wrdreg s2  }
0xb2: {  	[dreg:$0x3] =	wrdreg s19  }
0xb3: {  	[dreg:$0x4] =	wrdreg s4  }
0xb4: {  	[dreg:$0x5] =	wrdreg s5  }
0xb5: {  	[dreg:$0x6] =	wrdreg $0x9  }
0xb6: {  	_ =	task.clear_ibuf [dreg:s10], $0x7FFFF;
	_ =	strace $0x90000046  }
0xb7: {  	s29 =	simm.s32 $0x9;
	_ =	strace $0x80000048  }
0xb8: {  	_ =	swait.ge [sflag:s29], $0x1  }
0xb9: {  	[sflag:s29] =	ssyncadd.s32 $0xFFFFFFFF  }
0xba: {  	_ =	strace $0x90000048  }
0xbb: {  	_ =	sfence  }
0xbc: {  	s30 =	sld [smem:$0x0];
	_ =	sdelay $0x2  }
0xbd: {  	s31 =	sshll.u32 s1, $0xD;
	s1 =	sshrl.u32 s1, $0x2  }
0xbe: {  	s3 =	sand.u32 $0x4000, s31;
	s1 =	sadd.s32 s1, s30  }
0xbf: {  	s0 =	sor.u32 s3, s0;
	s1 =	sshll.u32 s1, $0x11  }
0xc0: {  	s0 =	sor.u32 s1, s0  }
0xc1: {  	s0 =	sadd.s32 $0x8F2B, s0  }
0xc2: {  	[sflag:s0] =	ssyncadd.remote.s32 $0x1  }
0xc3: {  	_ =	sfence.sel $0xFFFF  }
0xc4: {  	[dreg:$0x0] =	wrdreg $0xFFFFFFFF;
	(pc) =	sbr.abs _section_cstart, $3  }
0xc5: {  	[dreg:$0x1] =	wrdreg $0xFFFFFFFF  }
0xc6: {  	_ =	task.clear_ibuf [dreg:s10], $0x2FFFF;
	_ =	strace $0x9FFFFFFF  }
0xc7: {  	(tm) =	ssettm $0x7FFFFFFF  }
tec
execute0_lowered:
.L_overlay_start_1:
0x0: {  	(tag) =	ssettag $0x1  }
0x1: {  	s1 =	rddreg [dreg:$0x0]  }
0x2: {  	s2 =	rddreg [dreg:$0x1]  }
0x3: {  	s7 =	rddreg [dreg:$0x2]  }
0x4: {  	s4 =	rddreg [dreg:$0x3];
	s5 =	srdreg.scid  }
0x5: {  	s0 =	rddreg [dreg:$0x4];
	s3 =	stileid.u32;
	s11 =	simm.s32 $0x80  }
0x6: {  	s12 =	simm.s32 $0x880;
	s13 =	simm.s32 $0x1080;
	s14 =	simm.s32 $0x1880  }
0x7: {  	s15 =	simm.s32 $0x2080;
	s16 =	simm.s32 $0x2880;
	s17 =	simm.s32 $0x3080  }
0x8: {  	s18 =	simm.s32 $0x3880;
	s19 =	simm.s32 $0x1;
	s5 =	sand.u32 $0x1, s5  }
0x9: {  	s20 =	simm.s32 $0x0;
	s6 =	sshll.u32 s3, $0x7;
	s8 =	ssub.s32 $0x2, s5  }
0xa: {  	s9 =	sshll.u32 s5, $0x6;
	s5 =	simm.s32 $0x0;
	s10 =	sshrl.u32 s8, $0x1  }
0xb: {  	v2 =	vlaneseq.u32;
	s6 =	sor.u32 s9, s6;
	[smem:$0x7FF] =	sst s5;
	s8 =	ssub.s32 s8, s10  }
0xc: {  	vm0 =	vmmov $0xffff;
	v1 =	vshrl.u32 v2, $0x3;
	s9 =	sshll.u32 s6, $0x5;
	_ =	strace $0x80000047;
	s10 =	simm.s32 $0x2  }
0xd: {  	v0 =	vand.u32 $0x7, v2;
	v2 =	vor.u32 $0x8, v2;
	v1 =	vmul.u32 $0x8, v1;
	s7 =	sadd.s32 s7, s9;
	s8 =	smax.u32 s8, $0x1;
	s9 =	simm.s32 $0x4080  }
.LBB2_1:
0xe: {  	[tilespmem:s9], [sflag:$0x2] =	stream.linear.gather [hbm4b:s7+s5], $0x4000, $0x38;
	[tilespmem:$0x8080] =	vst v63  }
0xf: {  	_ =	swait.ge [sflag:s10], $0x4000  }
0x10: {  	[sflag:s10] =	ssyncset.done $0x0  }
0x11: {  	s21 =	simm.s32 $0x0;
	[sflag:s10] =	ssyncadd.s32 $0xFFFFC000  }
.LBB2_2:
0x12: {  	s22 =	sshll.u32 s21, $0xB  }
0x13: {  	s22 =	sor.u32 s6, s22  }
0x14: {  	s23 =	sshrl.u32 s22, $0x3  }
0x15: {  	s24 =	sadd.s32 s1, s23;
	s23 =	simm.s32 $0x0  }
0x16: {  	[tilespmem:s23], [sflag:$0x2] =	stream.linear.gather [hbm4b:s24+s23], $0x40, $0x38;
	[tilespmem:$0x8080] =	vst v63  }
0x17: {  	_ =	swait.ge [sflag:s10], $0x40  }
0x18: {  	[sflag:s10] =	ssyncset.done $0x0  }
0x19: {  	[sflag:s10] =	ssyncadd.s32 $0xFFFFFFC0  }
0x1a: {  	v3 =	vld [tilespmem:$0x0];
	_ =	sdelay $0x4  }
0x1b: {  	v4 =	vshll.u32 v3, $0x1  }
0x1c: {  	v3 =	vand.u32 $0x7, v3;
	v4 =	vand.u32 $0xFFFFFFF0, v4  }
0x1d: {  	v3 =	vor.u32 v3, v4  }
0x1e: {  	v4 =	vperm.xlane v3, v0;
	_ =	sdelay $0x1  }
0x1f: {  	v3 =	vperm.xlane v3, v2;
	v4 =	vadd.s32 v1, v4;
	_ =	sdelay $0x1  }
0x20: {  	v3 =	vadd.s32 v1, v3;
	_ =	sdelay $0x2  }
0x21: {  	[tilespmem:s11], [sflag:$0x1] =	stream.indirect_vreg.gather [hbm4b:s2+s23], $0x80, v4, vm0, $0xb8;
	[tilespmem:$0x8080] =	vst v63  }
0x22: {  	_ = 	snop  }
0x23: {  	[tilespmem:s12], [sflag:$0x1] =	stream.indirect_vreg.gather [hbm4b:s2+s23], $0x80, v3, vm0, $0xb8;
	[tilespmem:$0x8080] =	vst v63  }
0x24: {  	v3 =	vld [tilespmem:$0x10];
	_ =	sdelay $0x4  }
0x25: {  	v61 =	vshll.u32 v3, $0x1  }
0x26: {  	v3 =	vand.u32 $0x7, v3;
	v4 =	vand.u32 $0xFFFFFFF0, v61  }
0x27: {  	v3 =	vor.u32 v3, v4  }
0x28: {  	v4 =	vperm.xlane v3, v0;
	_ =	sdelay $0x1  }
0x29: {  	v3 =	vperm.xlane v3, v2;
	v4 =	vadd.s32 v1, v4;
	_ =	sdelay $0x1  }
0x2a: {  	v3 =	vadd.s32 v1, v3;
	_ =	sdelay $0x2  }
0x2b: {  	[tilespmem:s13], [sflag:$0x1] =	stream.indirect_vreg.gather [hbm4b:s2+s23], $0x80, v4, vm0, $0xb8;
	[tilespmem:$0x8080] =	vst v63  }
0x2c: {  	_ = 	snop  }
0x2d: {  	[tilespmem:s14], [sflag:$0x1] =	stream.indirect_vreg.gather [hbm4b:s2+s23], $0x80, v3, vm0, $0xb8;
	[tilespmem:$0x8080] =	vst v63  }
0x2e: {  	v3 =	vld [tilespmem:$0x20];
	_ =	sdelay $0x4  }
0x2f: {  	v62 =	vshll.u32 v3, $0x1  }
0x30: {  	v3 =	vand.u32 $0x7, v3;
	v4 =	vand.u32 $0xFFFFFFF0, v62  }
0x31: {  	v3 =	vor.u32 v3, v4  }
0x32: {  	v4 =	vperm.xlane v3, v0;
	_ =	sdelay $0x1  }
0x33: {  	v3 =	vperm.xlane v3, v2;
	v4 =	vadd.s32 v1, v4;
	_ =	sdelay $0x1  }
0x34: {  	v3 =	vadd.s32 v1, v3;
	_ =	sdelay $0x2  }
0x35: {  	[tilespmem:s15], [sflag:$0x1] =	stream.indirect_vreg.gather [hbm4b:s2+s23], $0x80, v4, vm0, $0xb8;
	[tilespmem:$0x8080] =	vst v63  }
0x36: {  	_ = 	snop  }
0x37: {  	[tilespmem:s16], [sflag:$0x1] =	stream.indirect_vreg.gather [hbm4b:s2+s23], $0x80, v3, vm0, $0xb8;
	[tilespmem:$0x8080] =	vst v63  }
0x38: {  	v3 =	vld [tilespmem:$0x30];
	_ =	sdelay $0x4  }
0x39: {  	v63 =	vshll.u32 v3, $0x1  }
0x3a: {  	v3 =	vand.u32 $0x7, v3;
	v4 =	vand.u32 $0xFFFFFFF0, v63  }
0x3b: {  	v3 =	vor.u32 v3, v4  }
0x3c: {  	v4 =	vperm.xlane v3, v0;
	_ =	sdelay $0x1  }
0x3d: {  	v3 =	vperm.xlane v3, v2;
	v4 =	vadd.s32 v1, v4;
	_ =	sdelay $0x1  }
0x3e: {  	v3 =	vadd.s32 v1, v3;
	_ =	sdelay $0x2  }
0x3f: {  	[tilespmem:s17], [sflag:$0x1] =	stream.indirect_vreg.gather [hbm4b:s2+s23], $0x80, v4, vm0, $0xb8;
	[tilespmem:$0x8080] =	vst v63  }
0x40: {  	_ = 	snop  }
0x41: {  	[tilespmem:s18], [sflag:$0x1] =	stream.indirect_vreg.gather [hbm4b:s2+s23], $0x80, v3, vm0, $0xb8;
	[tilespmem:$0x8080] =	vst v63  }
0x42: {  	_ =	swait.ge [sflag:s19], $0x4000  }
0x43: {  	[sflag:s19] =	ssyncset.done $0x0  }
0x44: {  	s24 =	simm.s32 $0x0;
	[sflag:s19] =	ssyncadd.s32 $0xFFFFC000  }
.LBB2_3:
0x45: {  	s25 =	sshll.u32 s24, $0x8;
	s26 =	sshll.u32 s24, $0x7  }
0x46: {  	s25 =	sand.u32 $0x3800, s25;
	s26 =	sand.u32 $0x380, s26  }
0x47: {  	s25 =	sor.u32 s25, s26;
	s26 =	sand.u32 $0x400, s23  }
0x48: {  	s28 =	sand.u32 $0x70, s23;
	s26 =	sor.u32 s26, s25  }
0x49: {  	s26 =	sor.u32 s28, s26  }
0x4a: {  	v3 =	vld [tilespmem:s26+$0x4080]  }
0x4b: {  	v4 =	vld [tilespmem:s26+$0x80];
	_ =	sdelay $0x2  }
0x4c: {  	s28 =	simm.s32 $0x80  }
0x4d: {  	s29 =	simm.s32 $0x10;
	s31 =	sand.u32 $0x400, s28  }
0x4e: {  	s30 =	sand.u32 $0x70, s29;
	s29 =	simm.s32 $0x20;
	s31 =	sor.u32 s31, s25;
	v3 =	vadd.f32 v3, v4  }
.LBB2_4:
0x4f: {  	p0 =	sne.s32 s29, $0xF0;
	s30 =	sor.u32 s30, s31  }
0x50: {  	v4 =	vld [tilespmem:s30+$0x4080];
	[tilespmem:s26+$0x80] =	vst v3;
	s26 =	smov.u32 s30  }
0x51: {  	v3 =	vld [tilespmem:s26+$0x80]  }
.Ltmp0:
0x52: {  	(pc) =	sbr.rel @p0 .LBB2_4-.Ltmp0, $4  }
0x53: {  	_ = 	snop  }
0x54: {  	s28 =	sadd.s32 $0x80, s28  }
0x55: {  	s31 =	sand.u32 $0x400, s28  }
0x56: {  	s30 =	sand.u32 $0x70, s29;
	s29 =	sadd.s32 $0x10, s29;
	s31 =	sor.u32 s31, s25;
	v3 =	vadd.f32 v4, v3  }
0x57: {  	s25 =	sor.u32 s30, s31  }
0x58: {  	v4 =	vld [tilespmem:s25+$0x4080];
	[tilespmem:s26+$0x80] =	vst v3  }
0x59: {  	v3 =	vld [tilespmem:s25+$0x80]  }
0x5a: {  	s24 =	sadd.s32 $0x1, s24  }
0x5b: {  	p0 =	sne.s32 s24, $0x40  }
.Ltmp1:
0x5c: {  	_ = 	snop;
	(pc) =	sbr.rel @p0 .LBB2_3-.Ltmp1, $3  }
0x5d: {  	_ = 	snop  }
0x5e: {  	v3 =	vadd.f32 v4, v3;
	_ =	sdelay $0x1  }
0x5f: {  	[tilespmem:s25+$0x80] =	vst v3  }
0x60: {  	s21 =	sadd.s32 $0x1, s21  }
0x61: {  	s22 =	sshll.u32 s22, $0x5;
	p0 =	sne.s32 s21, $0x20  }
.Ltmp2:
0x62: {  	s22 =	sadd.s32 s4, s22;
	(pc) =	sbr.rel @p0 .LBB2_2-.Ltmp2, $4  }
0x63: {  	[hbm4b:s22+s5] =	stream.linear.scatter [tilespmem:s11], [sflag:$0x2], $0x4000, $0x38;
	[tilespmem:$0x8080] =	vst v63  }
0x64: {  	_ =	swait.ge [sflag:s10], $0x4000  }
0x65: {  	[sflag:s10] =	ssyncset.done $0x0  }
0x66: {  	[sflag:s10] =	ssyncadd.s32 $0xFFFFC000  }
0x67: {  	s20 =	sadd.s32 $0x1, s20  }
0x68: {  	p0 =	sne.s32 s20, s8  }
.Ltmp3:
0x69: {  	_ = 	snop;
	(pc) =	sbr.rel @p0 .LBB2_1-.Ltmp3, $1  }
0x6a: {  	_ =	sdelay $0x3  }
0x6b: {  	_ =	sfence.sel $0x180000  }
0x6c: {  	[bflag:$0x0] =	sbarrier.arrive $0xFFFF  }
0x6d: {  	p0 =	sne.s32 s3, $0x0;
	_ =	strace $0x90000047  }
0x6e: {  	s0 =	sadd.s32 @!p0 $0x100000, s0;
	[bflag:$0x2] =	sbarrier.arrive $0xFFFF  }
0x6f: {  	[sflag:s0] =	ssyncadd.tile.s32 @!p0 $0x1;
	_ =	shalt  }
.Lfunc_end2:
_tile_overlayer_lowered:
.L_overlay_start_2:
0x70: {  	(tag) =	ssettag $0x2  }
0x71: {  	s0 =	rddreg [dreg:$0x0];
	s2 =	stileid.u32  }
0x72: {  	s1 =	rddreg [dreg:$0x1];
	p0 =	sne.s32 s2, $0x0  }
0x73: {  	s3 =	rddreg [dreg:$0x2];
	[bflag:$0x3] =	sbarrier.arrive $0xFFFF;
	s2 =	simm.s32 @!p0 $0x1C02  }
0x74: {  	[timem:s3], [sflag:s2] =	dma.local @!p0 [hbm:s0], s1  }
0x75: {  	s0 =	simm.s32 @!p0 $0x2  }
0x76: {  	_ =	swait.ge @!p0 [sflag:s0], s1  }
0x77: {  	s1 =	ssub.s32 @!p0 $0x0, s1;
	[sflag:s0] =	ssyncset.done @!p0 $0x0  }
0x78: {  	[sflag:s0] =	ssyncadd.s32 @!p0 s1  }
0x79: {  	[bflag:$0x3] =	sbarrier.arrive $0xFFFF  }
0x7a: {  	_ =	shalt  }

</sc_bundles>
